<compile_context>
chip_gen: v7x
topology: tpu7x:2x2x1
jax: 0.10.2.dev20260603
libtpu: 0.0.44.dev20260713+nightly
codegen_flags: <defaults>
</compile_context>

<pallas_src>
import functools

import jax
import jax.numpy as jnp
from jax import lax
from jax.experimental import pallas as pl
from jax.experimental.pallas import tpu as pltpu
from jax.experimental.pallas import tpu_sc as plsc

BATCH = 16384
STIM = 128
EMB = 16

_NC = 2
_NS = 16
_NW = _NC * _NS
_CHUNK = 128
_N_CHUNKS = BATCH // _CHUNK
_CH_PER_W = _N_CHUNKS // _NW
_GRP = _CHUNK // 16

_SBLK = 131072
_SGRID = 8
_SROWS = _SGRID * (_SBLK // 128)


def _tc_plane_sum(table_t, w):

    def body(t_ref, w_ref, o_ref):
        wcol = w_ref[0, STIM:STIM + EMB].reshape(EMB, 1)
        red = jnp.sum(t_ref[...] * wcol, axis=0)
        o_ref[...] = red.reshape(_SBLK // 128, 128)

    return pl.pallas_call(
        body,
        grid=(_SGRID,),
        in_specs=[
            pl.BlockSpec((EMB, _SBLK), lambda i: (0, i)),
            pl.BlockSpec((1, STIM + EMB), lambda i: (0, 0)),
        ],
        out_specs=pl.BlockSpec((_SBLK // 128, 128), lambda i: (i, 0)),
        out_shape=jax.ShapeDtypeStruct((_SROWS, 128), jnp.float32),
    )(table_t, w)


def _sc_row_pick(s2d, ids2d):
    mesh = plsc.VectorSubcoreMesh(core_axis_name="c", subcore_axis_name="s")

    @functools.partial(
        pl.kernel,
        mesh=mesh,
        compiler_params=pltpu.CompilerParams(needs_layout_passes=False),
        out_type=jax.ShapeDtypeStruct((_N_CHUNKS, _CHUNK), jnp.float32),
        scratch_types=[
            pltpu.VMEM((_CH_PER_W, _CHUNK), jnp.int32),
            pltpu.VMEM((_CH_PER_W, _CHUNK), jnp.int32),
            pltpu.VMEM((_CH_PER_W, _CHUNK, 128), jnp.float32),
            pltpu.VMEM((_CH_PER_W, _CHUNK), jnp.float32),
            pltpu.SemaphoreType.DMA,
        ],
    )
    def body(s_hbm, ids_hbm, out_hbm, idx_raw, idx_hi, rows_v, out_v, sem):
        wid = lax.axis_index("s") * _NC + lax.axis_index("c")
        base = wid * _CH_PER_W
        pltpu.sync_copy(ids_hbm.at[pl.ds(base, _CH_PER_W)], idx_raw)
        iota = lax.iota(jnp.int32, 16)

        for j in range(_CH_PER_W):
            def shift_body(g, carry, j=j):
                v = idx_raw[j, pl.ds(g * 16, 16)]
                idx_hi[j, pl.ds(g * 16, 16)] = lax.shift_right_logical(v, 7)
                return carry

            lax.fori_loop(0, _GRP, shift_body, 0, unroll=False)
        copies = [
            pltpu.async_copy(s_hbm.at[idx_hi.at[j]], rows_v.at[j], sem)
            for j in range(_CH_PER_W)
        ]
        for j in range(_CH_PER_W):
            copies[j].wait()
            jv = jnp.full((16,), j, jnp.int32)

            def pick_body(g, carry, j=j, jv=jv):
                v = idx_raw[j, pl.ds(g * 16, 16)]
                lane = v & 127
                i1 = g * 16 + iota
                out_v[j, pl.ds(g * 16, 16)] = plsc.load_gather(
                    rows_v, [jv, i1, lane])
                return carry

            lax.fori_loop(0, _GRP, pick_body, 0, unroll=False)
        pltpu.sync_copy(out_v, out_hbm.at[pl.ds(base, _CH_PER_W)])

    return body(s2d, ids2d)


def _tc_matvec(x3, w):
    blk = 32

    def body(x_ref, w_ref, o_ref):
        wx = w_ref[0:1, 0:STIM]
        prod = x_ref[...] * wx[None]
        o_ref[...] = jnp.sum(prod, axis=-1)

    return pl.pallas_call(
        body,
        grid=(128 // blk,),
        in_specs=[
            pl.BlockSpec((blk, 128, STIM), lambda i: (i, 0, 0)),
            pl.BlockSpec((1, STIM + EMB), lambda i: (0, 0)),
        ],
        out_specs=pl.BlockSpec((blk, 128), lambda i: (i, 0)),
        out_shape=jax.ShapeDtypeStruct((128, 128), jnp.float32),
    )(x3, w)


def _tc_combine(stim, emb, b):
    def body(b_ref, s_ref, e_ref, o_ref):
        o_ref[...] = jax.nn.sigmoid(s_ref[...] + e_ref[...] + b_ref[0])

    return pl.pallas_call(
        body,
        in_specs=[
            pl.BlockSpec(memory_space=pltpu.SMEM),
            pl.BlockSpec((128, 128), lambda: (0, 0)),
            pl.BlockSpec((128, 128), lambda: (0, 0)),
        ],
        out_specs=pl.BlockSpec((128, 128), lambda: (0, 0)),
        out_shape=jax.ShapeDtypeStruct((128, 128), jnp.float32),
    )(b, stim, emb)


def kernel(X_stim, neuron_ids, embed_table, W, b):
    ids2d = neuron_ids.astype(jnp.int32).reshape(_N_CHUNKS, _CHUNK)
    table_t = jnp.transpose(embed_table)
    s2d = _tc_plane_sum(table_t, W)
    emb = _sc_row_pick(s2d, ids2d)
    x3 = X_stim.reshape(128, 128, STIM)
    stim = _tc_matvec(x3, W)
    probs = _tc_combine(stim, emb, b)
    return probs.reshape(BATCH)

# --- scband reference (transcript-rebuilt; emitter-appended) ---
"""Pipeline reference for scband-torch-neuron-embedding-log-reg-65077344469607 (READ-ONLY COPY).

The authoritative reference and input builder live on the scoring server;
editing this copy changes nothing except your own understanding.
"""

import jax, jax.numpy as jnp
import numpy as np

BATCH = 16384
STIM_DIM = 128
NEURON_COUNT = 1000000
EMBED_DIM = 16


def setup_inputs(seed: int = 0) -> dict:
    key = jax.random.key(seed)
    k1, k2, k3, k4, k5 = jax.random.split(key, 5)
    X_stim = jax.random.normal(k1, (BATCH, STIM_DIM), dtype=jnp.float32)
    neuron_ids = jax.random.randint(k2, (BATCH,), 0, NEURON_COUNT, dtype=jnp.int64 if jax.config.jax_enable_x64 else jnp.int32)
    embed_table = jax.random.normal(k3, (NEURON_COUNT, EMBED_DIM), dtype=jnp.float32)
    # nn.Linear(stimulus_dim + neuron_embed_dim, 1)
    fan_in = STIM_DIM + EMBED_DIM
    bound = 1.0 / np.sqrt(fan_in)
    W = jax.random.uniform(k4, (1, fan_in), minval=-bound, maxval=bound, dtype=jnp.float32)
    b = jax.random.uniform(k5, (1,), minval=-bound, maxval=bound, dtype=jnp.float32)
    return {"X_stim": X_stim, "neuron_ids": neuron_ids, "embed_table": embed_table, "W": W, "b": b}


def reference(X_stim, neuron_ids, embed_table, W, b):
    # e_neuron = self.neuron_embed(neuron_ids)
    e_neuron = jnp.take(embed_table, neuron_ids, axis=0)
    # x = torch.cat([X_stim, e_neuron], dim=1)
    x = jnp.concatenate([X_stim, e_neuron], axis=1)
    # logits = self.linear(x).squeeze(1)
    logits = (x @ W.T + b).squeeze(1)
    probs = jax.nn.sigmoid(logits)
    return probs

if __name__ == "__main__":
    import jax
    _d = setup_inputs()
    print(jax.jit(kernel)(*tuple(_d.values())))

</pallas_src>

<mosaic_0001>
#map = affine_map<(d0, d1) -> (0, 0)>
module attributes {stable_mosaic.version = 14 : i64} {
  func.func @body(%arg0: i32, %arg1: i32, %arg2: memref<8192x128xf32, #tpu.memory_space<hbm>>, %arg3: memref<128x128xi32, #tpu.memory_space<hbm>>, %arg4: memref<128x128xf32, #tpu.memory_space<hbm>>, %arg5: memref<4x128xi32, #tpu.memory_space<vmem>>, %arg6: memref<4x128xi32, #tpu.memory_space<vmem>>, %arg7: memref<4x128x128xf32, #tpu.memory_space<vmem>>, %arg8: memref<4x128xf32, #tpu.memory_space<vmem>>, %arg9: memref<!tpu.dma_semaphore, #tpu.memory_space<semaphore_mem>>) attributes {dimension_semantics = [#tpu.dimension_semantics<core_parallel>, #tpu.dimension_semantics<subcore_parallel>], iteration_bounds = array<i64: 2, 16>, scalar_prefetch = 0 : i64, scratch_operands = 5 : i64, tpu.core_type = #tpu.core_type<sc_vector_subcore>, window_params = [{transform_indices = #map}, {transform_indices = #map}, {transform_indices = #map}]} {
    %mul3A = arith.constant 2 : i32
    %mul3A_0 = arith.muli %arg1, %mul3A : i32
    %add3A = arith.addi %mul3A_0, %arg0 : i32
    %mul3A_1 = arith.constant 4 : i32
    %mul3A_2 = arith.muli %add3A, %mul3A_1 : i32
    "tpu.region"() ({
      %run_scoped3A = tpu.sem_alloc : memref<!tpu.dma_semaphore, #tpu.memory_space<semaphore_mem>>
      %dma_start3A_151 = arith.constant 0 : i32
      %dma_start3A_152 = tpu.memref_slice %arg3[%mul3A_2, %dma_start3A_151] : memref<128x128xi32, #tpu.memory_space<hbm>> -> memref<4x128xi32, #tpu.memory_space<hbm>>
      %dma_start3A_153 = arith.constant 0 : i32
      %dma_start3A_154 = tpu.memref_slice %arg3[%mul3A_2, %dma_start3A_153] : memref<128x128xi32, #tpu.memory_space<hbm>> -> memref<4x128xi32, #tpu.memory_space<hbm>>
      tpu.enqueue_dma source(%dma_start3A_154 : memref<4x128xi32, #tpu.memory_space<hbm>>) target(%arg5 : memref<4x128xi32, #tpu.memory_space<vmem>>) target_semaphore(%run_scoped3A : memref<!tpu.dma_semaphore, #tpu.memory_space<semaphore_mem>>)
      %dma_wait3A_155 = arith.constant 0 : i32
      %dma_wait3A_156 = tpu.memref_slice %arg3[%mul3A_2, %dma_wait3A_155] : memref<128x128xi32, #tpu.memory_space<hbm>> -> memref<4x128xi32, #tpu.memory_space<hbm>>
      %dma_wait3A_157 = arith.constant 0 : i32
      %dma_wait3A_158 = tpu.memref_slice %arg3[%mul3A_2, %dma_wait3A_157] : memref<128x128xi32, #tpu.memory_space<hbm>> -> memref<4x128xi32, #tpu.memory_space<hbm>>
      tpu.wait_dma2 semaphore(%run_scoped3A : memref<!tpu.dma_semaphore, #tpu.memory_space<semaphore_mem>>) src(%dma_wait3A_158 : memref<4x128xi32, #tpu.memory_space<hbm>>) dst(%arg5 : memref<4x128xi32, #tpu.memory_space<vmem>>)
      tpu.yield
    }) : () -> ()
    %iota3A = tpu.iota {dimensions = array<i32: 0>} : vector<16xi32>
    %scan3A = arith.constant 0 : i32
    %scan3A_3 = arith.constant 0 : i32
    %scan3A_4 = arith.constant 8 : i32
    %scan3A_5 = arith.addi %scan3A_3, %scan3A_4 : i32
    %scan3A_6 = arith.constant 1 : i32
    scf.for %scan3A_151 = %scan3A_3 to %scan3A_5 step %scan3A_6  : i32 {
      %mul3A_152 = arith.constant 16 : i32
      %mul3A_153 = arith.muli %scan3A_151, %mul3A_152 : i32
      %get3A = arith.constant 0 : i32
      %get3A_154 = arith.index_cast %get3A : i32 to index
      %get3A_155 = arith.index_cast %mul3A_153 : i32 to index
      %get3A_156 = tpu.vector_load %arg5[%get3A_154, %get3A_155] {strides = array<i32>} : memref<4x128xi32, #tpu.memory_space<vmem>>, vector<16xi32>,
      %shift_right_logical3A = arith.constant 7 : i32
      %shift_right_logical3A_157 = vector.broadcast %shift_right_logical3A : i32 to vector<16xi32>
      %shift_right_logical3A_158 = arith.shrui %get3A_156, %shift_right_logical3A_157 : vector<16xi32>
      %mul3A_159 = arith.constant 16 : i32
      %mul3A_160 = arith.muli %scan3A_151, %mul3A_159 : i32
      %swap3A = arith.constant 0 : i32
      %swap3A_161 = arith.index_cast %swap3A : i32 to index
      %swap3A_162 = arith.index_cast %mul3A_160 : i32 to index
      %swap3A_163 = tpu.vector_load %arg6[%swap3A_161, %swap3A_162] {strides = array<i32>} : memref<4x128xi32, #tpu.memory_space<vmem>>, vector<16xi32>,
      tpu.vector_store %arg6[%swap3A_161, %swap3A_162], %shift_right_logical3A_158 {strides = array<i32>} : memref<4x128xi32, #tpu.memory_space<vmem>>, vector<16xi32>,
    }
    %scan3A_7 = arith.constant 8 : i32
    %scan3A_8 = arith.constant 0 : i32
    %scan3A_9 = arith.constant 0 : i32
    %scan3A_10 = arith.constant 8 : i32
    %scan3A_11 = arith.addi %scan3A_9, %scan3A_10 : i32
    %scan3A_12 = arith.constant 1 : i32
    scf.for %scan3A_151 = %scan3A_9 to %scan3A_11 step %scan3A_12  : i32 {
      %mul3A_152 = arith.constant 16 : i32
      %mul3A_153 = arith.muli %scan3A_151, %mul3A_152 : i32
      %get3A = arith.constant 1 : i32
      %get3A_154 = arith.index_cast %get3A : i32 to index
      %get3A_155 = arith.index_cast %mul3A_153 : i32 to index
      %get3A_156 = tpu.vector_load %arg5[%get3A_154, %get3A_155] {strides = array<i32>} : memref<4x128xi32, #tpu.memory_space<vmem>>, vector<16xi32>,
      %shift_right_logical3A = arith.constant 7 : i32
      %shift_right_logical3A_157 = vector.broadcast %shift_right_logical3A : i32 to vector<16xi32>
      %shift_right_logical3A_158 = arith.shrui %get3A_156, %shift_right_logical3A_157 : vector<16xi32>
      %mul3A_159 = arith.constant 16 : i32
      %mul3A_160 = arith.muli %scan3A_151, %mul3A_159 : i32
      %swap3A = arith.constant 1 : i32
      %swap3A_161 = arith.index_cast %swap3A : i32 to index
      %swap3A_162 = arith.index_cast %mul3A_160 : i32 to index
      %swap3A_163 = tpu.vector_load %arg6[%swap3A_161, %swap3A_162] {strides = array<i32>} : memref<4x128xi32, #tpu.memory_space<vmem>>, vector<16xi32>,
      tpu.vector_store %arg6[%swap3A_161, %swap3A_162], %shift_right_logical3A_158 {strides = array<i32>} : memref<4x128xi32, #tpu.memory_space<vmem>>, vector<16xi32>,
    }
    %scan3A_13 = arith.constant 8 : i32
    %scan3A_14 = arith.constant 0 : i32
    %scan3A_15 = arith.constant 0 : i32
    %scan3A_16 = arith.constant 8 : i32
    %scan3A_17 = arith.addi %scan3A_15, %scan3A_16 : i32
    %scan3A_18 = arith.constant 1 : i32
    scf.for %scan3A_151 = %scan3A_15 to %scan3A_17 step %scan3A_18  : i32 {
      %mul3A_152 = arith.constant 16 : i32
      %mul3A_153 = arith.muli %scan3A_151, %mul3A_152 : i32
      %get3A = arith.constant 2 : i32
      %get3A_154 = arith.index_cast %get3A : i32 to index
      %get3A_155 = arith.index_cast %mul3A_153 : i32 to index
      %get3A_156 = tpu.vector_load %arg5[%get3A_154, %get3A_155] {strides = array<i32>} : memref<4x128xi32, #tpu.memory_space<vmem>>, vector<16xi32>,
      %shift_right_logical3A = arith.constant 7 : i32
      %shift_right_logical3A_157 = vector.broadcast %shift_right_logical3A : i32 to vector<16xi32>
      %shift_right_logical3A_158 = arith.shrui %get3A_156, %shift_right_logical3A_157 : vector<16xi32>
      %mul3A_159 = arith.constant 16 : i32
      %mul3A_160 = arith.muli %scan3A_151, %mul3A_159 : i32
      %swap3A = arith.constant 2 : i32
      %swap3A_161 = arith.index_cast %swap3A : i32 to index
      %swap3A_162 = arith.index_cast %mul3A_160 : i32 to index
      %swap3A_163 = tpu.vector_load %arg6[%swap3A_161, %swap3A_162] {strides = array<i32>} : memref<4x128xi32, #tpu.memory_space<vmem>>, vector<16xi32>,
      tpu.vector_store %arg6[%swap3A_161, %swap3A_162], %shift_right_logical3A_158 {strides = array<i32>} : memref<4x128xi32, #tpu.memory_space<vmem>>, vector<16xi32>,
    }
    %scan3A_19 = arith.constant 8 : i32
    %scan3A_20 = arith.constant 0 : i32
    %scan3A_21 = arith.constant 0 : i32
    %scan3A_22 = arith.constant 8 : i32
    %scan3A_23 = arith.addi %scan3A_21, %scan3A_22 : i32
    %scan3A_24 = arith.constant 1 : i32
    scf.for %scan3A_151 = %scan3A_21 to %scan3A_23 step %scan3A_24  : i32 {
      %mul3A_152 = arith.constant 16 : i32
      %mul3A_153 = arith.muli %scan3A_151, %mul3A_152 : i32
      %get3A = arith.constant 3 : i32
      %get3A_154 = arith.index_cast %get3A : i32 to index
      %get3A_155 = arith.index_cast %mul3A_153 : i32 to index
      %get3A_156 = tpu.vector_load %arg5[%get3A_154, %get3A_155] {strides = array<i32>} : memref<4x128xi32, #tpu.memory_space<vmem>>, vector<16xi32>,
      %shift_right_logical3A = arith.constant 7 : i32
      %shift_right_logical3A_157 = vector.broadcast %shift_right_logical3A : i32 to vector<16xi32>
      %shift_right_logical3A_158 = arith.shrui %get3A_156, %shift_right_logical3A_157 : vector<16xi32>
      %mul3A_159 = arith.constant 16 : i32
      %mul3A_160 = arith.muli %scan3A_151, %mul3A_159 : i32
      %swap3A = arith.constant 3 : i32
      %swap3A_161 = arith.index_cast %swap3A : i32 to index
      %swap3A_162 = arith.index_cast %mul3A_160 : i32 to index
      %swap3A_163 = tpu.vector_load %arg6[%swap3A_161, %swap3A_162] {strides = array<i32>} : memref<4x128xi32, #tpu.memory_space<vmem>>, vector<16xi32>,
      tpu.vector_store %arg6[%swap3A_161, %swap3A_162], %shift_right_logical3A_158 {strides = array<i32>} : memref<4x128xi32, #tpu.memory_space<vmem>>, vector<16xi32>,
    }
    %scan3A_25 = arith.constant 8 : i32
    %dma_start3A = arith.constant 0 : i32
    %dma_start3A_26 = arith.constant 0 : i32
    %dma_start3A_27 = arith.constant 0 : i32
    %dma_start3A_28 = arith.constant 0 : i32
    %dma_start3A_29 = tpu.memref_slice %arg7[%dma_start3A_26, %dma_start3A_27, %dma_start3A_28] : memref<4x128x128xf32, #tpu.memory_space<vmem>> -> memref<1x128x128xf32, #tpu.memory_space<vmem>>
    %dma_start3A_30 = tpu.memref_squeeze %dma_start3A_29 : memref<1x128x128xf32, #tpu.memory_space<vmem>> -> memref<128x128xf32, #tpu.memory_space<vmem>>
    %dma_start3A_31 = arith.constant 0 : i32
    %dma_start3A_32 = tpu.memref_slice %arg6[%dma_start3A, %dma_start3A_31] : memref<4x128xi32, #tpu.memory_space<vmem>> -> memref<1x128xi32, #tpu.memory_space<vmem>>
    %dma_start3A_33 = tpu.memref_squeeze %dma_start3A_32 : memref<1x128xi32, #tpu.memory_space<vmem>> -> memref<128xi32, #tpu.memory_space<vmem>>
    %dma_start3A_34 = arith.constant 0 : i32
    %dma_start3A_35 = arith.constant 0 : i32
    %dma_start3A_36 = tpu.memref_slice %arg2[%dma_start3A_34, %dma_start3A_35] : memref<8192x128xf32, #tpu.memory_space<hbm>> -> memref<8192x128xf32, #tpu.memory_space<hbm>>
    tpu.enqueue_indirect_dma source(%dma_start3A_36 : memref<8192x128xf32, #tpu.memory_space<hbm>>) target(%dma_start3A_30 : memref<128x128xf32, #tpu.memory_space<vmem>>) offsets(%dma_start3A_33 : memref<128xi32, #tpu.memory_space<vmem>>) semaphore(%arg9 : memref<!tpu.dma_semaphore, #tpu.memory_space<semaphore_mem>>)
    %dma_start3A_37 = arith.constant 1 : i32
    %dma_start3A_38 = arith.constant 1 : i32
    %dma_start3A_39 = arith.constant 0 : i32
    %dma_start3A_40 = arith.constant 0 : i32
    %dma_start3A_41 = tpu.memref_slice %arg7[%dma_start3A_38, %dma_start3A_39, %dma_start3A_40] : memref<4x128x128xf32, #tpu.memory_space<vmem>> -> memref<1x128x128xf32, #tpu.memory_space<vmem>>
    %dma_start3A_42 = tpu.memref_squeeze %dma_start3A_41 : memref<1x128x128xf32, #tpu.memory_space<vmem>> -> memref<128x128xf32, #tpu.memory_space<vmem>>
    %dma_start3A_43 = arith.constant 0 : i32
    %dma_start3A_44 = tpu.memref_slice %arg6[%dma_start3A_37, %dma_start3A_43] : memref<4x128xi32, #tpu.memory_space<vmem>> -> memref<1x128xi32, #tpu.memory_space<vmem>>
    %dma_start3A_45 = tpu.memref_squeeze %dma_start3A_44 : memref<1x128xi32, #tpu.memory_space<vmem>> -> memref<128xi32, #tpu.memory_space<vmem>>
    %dma_start3A_46 = arith.constant 0 : i32
    %dma_start3A_47 = arith.constant 0 : i32
    %dma_start3A_48 = tpu.memref_slice %arg2[%dma_start3A_46, %dma_start3A_47] : memref<8192x128xf32, #tpu.memory_space<hbm>> -> memref<8192x128xf32, #tpu.memory_space<hbm>>
    tpu.enqueue_indirect_dma source(%dma_start3A_48 : memref<8192x128xf32, #tpu.memory_space<hbm>>) target(%dma_start3A_42 : memref<128x128xf32, #tpu.memory_space<vmem>>) offsets(%dma_start3A_45 : memref<128xi32, #tpu.memory_space<vmem>>) semaphore(%arg9 : memref<!tpu.dma_semaphore, #tpu.memory_space<semaphore_mem>>)
    %dma_start3A_49 = arith.constant 2 : i32
    %dma_start3A_50 = arith.constant 2 : i32
    %dma_start3A_51 = arith.constant 0 : i32
    %dma_start3A_52 = arith.constant 0 : i32
    %dma_start3A_53 = tpu.memref_slice %arg7[%dma_start3A_50, %dma_start3A_51, %dma_start3A_52] : memref<4x128x128xf32, #tpu.memory_space<vmem>> -> memref<1x128x128xf32, #tpu.memory_space<vmem>>
    %dma_start3A_54 = tpu.memref_squeeze %dma_start3A_53 : memref<1x128x128xf32, #tpu.memory_space<vmem>> -> memref<128x128xf32, #tpu.memory_space<vmem>>
    %dma_start3A_55 = arith.constant 0 : i32
    %dma_start3A_56 = tpu.memref_slice %arg6[%dma_start3A_49, %dma_start3A_55] : memref<4x128xi32, #tpu.memory_space<vmem>> -> memref<1x128xi32, #tpu.memory_space<vmem>>
    %dma_start3A_57 = tpu.memref_squeeze %dma_start3A_56 : memref<1x128xi32, #tpu.memory_space<vmem>> -> memref<128xi32, #tpu.memory_space<vmem>>
    %dma_start3A_58 = arith.constant 0 : i32
    %dma_start3A_59 = arith.constant 0 : i32
    %dma_start3A_60 = tpu.memref_slice %arg2[%dma_start3A_58, %dma_start3A_59] : memref<8192x128xf32, #tpu.memory_space<hbm>> -> memref<8192x128xf32, #tpu.memory_space<hbm>>
    tpu.enqueue_indirect_dma source(%dma_start3A_60 : memref<8192x128xf32, #tpu.memory_space<hbm>>) target(%dma_start3A_54 : memref<128x128xf32, #tpu.memory_space<vmem>>) offsets(%dma_start3A_57 : memref<128xi32, #tpu.memory_space<vmem>>) semaphore(%arg9 : memref<!tpu.dma_semaphore, #tpu.memory_space<semaphore_mem>>)
    %dma_start3A_61 = arith.constant 3 : i32
    %dma_start3A_62 = arith.constant 3 : i32
    %dma_start3A_63 = arith.constant 0 : i32
    %dma_start3A_64 = arith.constant 0 : i32
    %dma_start3A_65 = tpu.memref_slice %arg7[%dma_start3A_62, %dma_start3A_63, %dma_start3A_64] : memref<4x128x128xf32, #tpu.memory_space<vmem>> -> memref<1x128x128xf32, #tpu.memory_space<vmem>>
    %dma_start3A_66 = tpu.memref_squeeze %dma_start3A_65 : memref<1x128x128xf32, #tpu.memory_space<vmem>> -> memref<128x128xf32, #tpu.memory_space<vmem>>
    %dma_start3A_67 = arith.constant 0 : i32
    %dma_start3A_68 = tpu.memref_slice %arg6[%dma_start3A_61, %dma_start3A_67] : memref<4x128xi32, #tpu.memory_space<vmem>> -> memref<1x128xi32, #tpu.memory_space<vmem>>
    %dma_start3A_69 = tpu.memref_squeeze %dma_start3A_68 : memref<1x128xi32, #tpu.memory_space<vmem>> -> memref<128xi32, #tpu.memory_space<vmem>>
    %dma_start3A_70 = arith.constant 0 : i32
    %dma_start3A_71 = arith.constant 0 : i32
    %dma_start3A_72 = tpu.memref_slice %arg2[%dma_start3A_70, %dma_start3A_71] : memref<8192x128xf32, #tpu.memory_space<hbm>> -> memref<8192x128xf32, #tpu.memory_space<hbm>>
    tpu.enqueue_indirect_dma source(%dma_start3A_72 : memref<8192x128xf32, #tpu.memory_space<hbm>>) target(%dma_start3A_66 : memref<128x128xf32, #tpu.memory_space<vmem>>) offsets(%dma_start3A_69 : memref<128xi32, #tpu.memory_space<vmem>>) semaphore(%arg9 : memref<!tpu.dma_semaphore, #tpu.memory_space<semaphore_mem>>)
    %dma_wait3A = arith.constant 0 : i32
    %dma_wait3A_73 = arith.constant 0 : i32
    %dma_wait3A_74 = arith.constant 0 : i32
    %dma_wait3A_75 = arith.constant 0 : i32
    %dma_wait3A_76 = tpu.memref_slice %arg7[%dma_wait3A_73, %dma_wait3A_74, %dma_wait3A_75] : memref<4x128x128xf32, #tpu.memory_space<vmem>> -> memref<1x128x128xf32, #tpu.memory_space<vmem>>
    %dma_wait3A_77 = tpu.memref_squeeze %dma_wait3A_76 : memref<1x128x128xf32, #tpu.memory_space<vmem>> -> memref<128x128xf32, #tpu.memory_space<vmem>>
    %dma_wait3A_78 = arith.constant 0 : i32
    %dma_wait3A_79 = tpu.memref_slice %arg6[%dma_wait3A, %dma_wait3A_78] : memref<4x128xi32, #tpu.memory_space<vmem>> -> memref<1x128xi32, #tpu.memory_space<vmem>>
    %dma_wait3A_80 = tpu.memref_squeeze %dma_wait3A_79 : memref<1x128xi32, #tpu.memory_space<vmem>> -> memref<128xi32, #tpu.memory_space<vmem>>
    %dma_wait3A_81 = arith.constant 0 : i32
    %dma_wait3A_82 = arith.constant 0 : i32
    %dma_wait3A_83 = tpu.memref_slice %arg2[%dma_wait3A_81, %dma_wait3A_82] : memref<8192x128xf32, #tpu.memory_space<hbm>> -> memref<8192x128xf32, #tpu.memory_space<hbm>>
    tpu.wait_indirect_dma semaphore(%arg9 : memref<!tpu.dma_semaphore, #tpu.memory_space<semaphore_mem>>) src(%dma_wait3A_83 : memref<8192x128xf32, #tpu.memory_space<hbm>>) dst(%dma_wait3A_77 : memref<128x128xf32, #tpu.memory_space<vmem>>)
    %broadcast_in_dim3A = arith.constant 0 : i32
    %broadcast_in_dim3A_84 = vector.broadcast %broadcast_in_dim3A : i32 to vector<16xi32>
    %scan3A_85 = arith.constant 0 : i32
    %scan3A_86 = arith.constant 0 : i32
    %scan3A_87 = arith.constant 8 : i32
    %scan3A_88 = arith.addi %scan3A_86, %scan3A_87 : i32
    %scan3A_89 = arith.constant 1 : i32
    scf.for %scan3A_151 = %scan3A_86 to %scan3A_88 step %scan3A_89  : i32 {
      %mul3A_152 = arith.constant 16 : i32
      %mul3A_153 = arith.muli %scan3A_151, %mul3A_152 : i32
      %get3A = arith.constant 0 : i32
      %get3A_154 = arith.index_cast %get3A : i32 to index
      %get3A_155 = arith.index_cast %mul3A_153 : i32 to index
      %get3A_156 = tpu.vector_load %arg5[%get3A_154, %get3A_155] {strides = array<i32>} : memref<4x128xi32, #tpu.memory_space<vmem>>, vector<16xi32>,
      %and3A = arith.constant 127 : i32
      %and3A_157 = vector.broadcast %and3A : i32 to vector<16xi32>
      %and3A_158 = arith.andi %get3A_156, %and3A_157 : vector<16xi32>
      %mul3A_159 = arith.constant 16 : i32
      %mul3A_160 = arith.muli %scan3A_151, %mul3A_159 : i32
      %add3A_161 = vector.broadcast %mul3A_160 : i32 to vector<16xi32>
      %add3A_162 = arith.addi %add3A_161, %iota3A : vector<16xi32>
      %gather3A = tpu.vector_load_idx %arg7[%broadcast_in_dim3A_84, %add3A_162, %and3A_158] : memref<4x128x128xf32, #tpu.memory_space<vmem>>[vector<16xi32>, vector<16xi32>, vector<16xi32>], vector<16xf32>,
      %mul3A_163 = arith.constant 16 : i32
      %mul3A_164 = arith.muli %scan3A_151, %mul3A_163 : i32
      %swap3A = arith.constant 0 : i32
      %swap3A_165 = arith.index_cast %swap3A : i32 to index
      %swap3A_166 = arith.index_cast %mul3A_164 : i32 to index
      %swap3A_167 = tpu.vector_load %arg8[%swap3A_165, %swap3A_166] {strides = array<i32>} : memref<4x128xf32, #tpu.memory_space<vmem>>, vector<16xf32>,
      tpu.vector_store %arg8[%swap3A_165, %swap3A_166], %gather3A {strides = array<i32>} : memref<4x128xf32, #tpu.memory_space<vmem>>, vector<16xf32>,
    }
    %scan3A_90 = arith.constant 8 : i32
    %dma_wait3A_91 = arith.constant 1 : i32
    %dma_wait3A_92 = arith.constant 1 : i32
    %dma_wait3A_93 = arith.constant 0 : i32
    %dma_wait3A_94 = arith.constant 0 : i32
    %dma_wait3A_95 = tpu.memref_slice %arg7[%dma_wait3A_92, %dma_wait3A_93, %dma_wait3A_94] : memref<4x128x128xf32, #tpu.memory_space<vmem>> -> memref<1x128x128xf32, #tpu.memory_space<vmem>>
    %dma_wait3A_96 = tpu.memref_squeeze %dma_wait3A_95 : memref<1x128x128xf32, #tpu.memory_space<vmem>> -> memref<128x128xf32, #tpu.memory_space<vmem>>
    %dma_wait3A_97 = arith.constant 0 : i32
    %dma_wait3A_98 = tpu.memref_slice %arg6[%dma_wait3A_91, %dma_wait3A_97] : memref<4x128xi32, #tpu.memory_space<vmem>> -> memref<1x128xi32, #tpu.memory_space<vmem>>
    %dma_wait3A_99 = tpu.memref_squeeze %dma_wait3A_98 : memref<1x128xi32, #tpu.memory_space<vmem>> -> memref<128xi32, #tpu.memory_space<vmem>>
    %dma_wait3A_100 = arith.constant 0 : i32
    %dma_wait3A_101 = arith.constant 0 : i32
    %dma_wait3A_102 = tpu.memref_slice %arg2[%dma_wait3A_100, %dma_wait3A_101] : memref<8192x128xf32, #tpu.memory_space<hbm>> -> memref<8192x128xf32, #tpu.memory_space<hbm>>
    tpu.wait_indirect_dma semaphore(%arg9 : memref<!tpu.dma_semaphore, #tpu.memory_space<semaphore_mem>>) src(%dma_wait3A_102 : memref<8192x128xf32, #tpu.memory_space<hbm>>) dst(%dma_wait3A_96 : memref<128x128xf32, #tpu.memory_space<vmem>>)
    %broadcast_in_dim3A_103 = arith.constant 1 : i32
    %broadcast_in_dim3A_104 = vector.broadcast %broadcast_in_dim3A_103 : i32 to vector<16xi32>
    %scan3A_105 = arith.constant 0 : i32
    %scan3A_106 = arith.constant 0 : i32
    %scan3A_107 = arith.constant 8 : i32
    %scan3A_108 = arith.addi %scan3A_106, %scan3A_107 : i32
    %scan3A_109 = arith.constant 1 : i32
    scf.for %scan3A_151 = %scan3A_106 to %scan3A_108 step %scan3A_109  : i32 {
      %mul3A_152 = arith.constant 16 : i32
      %mul3A_153 = arith.muli %scan3A_151, %mul3A_152 : i32
      %get3A = arith.constant 1 : i32
      %get3A_154 = arith.index_cast %get3A : i32 to index
      %get3A_155 = arith.index_cast %mul3A_153 : i32 to index
      %get3A_156 = tpu.vector_load %arg5[%get3A_154, %get3A_155] {strides = array<i32>} : memref<4x128xi32, #tpu.memory_space<vmem>>, vector<16xi32>,
      %and3A = arith.constant 127 : i32
      %and3A_157 = vector.broadcast %and3A : i32 to vector<16xi32>
      %and3A_158 = arith.andi %get3A_156, %and3A_157 : vector<16xi32>
      %mul3A_159 = arith.constant 16 : i32
      %mul3A_160 = arith.muli %scan3A_151, %mul3A_159 : i32
      %add3A_161 = vector.broadcast %mul3A_160 : i32 to vector<16xi32>
      %add3A_162 = arith.addi %add3A_161, %iota3A : vector<16xi32>
      %gather3A = tpu.vector_load_idx %arg7[%broadcast_in_dim3A_104, %add3A_162, %and3A_158] : memref<4x128x128xf32, #tpu.memory_space<vmem>>[vector<16xi32>, vector<16xi32>, vector<16xi32>], vector<16xf32>,
      %mul3A_163 = arith.constant 16 : i32
      %mul3A_164 = arith.muli %scan3A_151, %mul3A_163 : i32
      %swap3A = arith.constant 1 : i32
      %swap3A_165 = arith.index_cast %swap3A : i32 to index
      %swap3A_166 = arith.index_cast %mul3A_164 : i32 to index
      %swap3A_167 = tpu.vector_load %arg8[%swap3A_165, %swap3A_166] {strides = array<i32>} : memref<4x128xf32, #tpu.memory_space<vmem>>, vector<16xf32>,
      tpu.vector_store %arg8[%swap3A_165, %swap3A_166], %gather3A {strides = array<i32>} : memref<4x128xf32, #tpu.memory_space<vmem>>, vector<16xf32>,
    }
    %scan3A_110 = arith.constant 8 : i32
    %dma_wait3A_111 = arith.constant 2 : i32
    %dma_wait3A_112 = arith.constant 2 : i32
    %dma_wait3A_113 = arith.constant 0 : i32
    %dma_wait3A_114 = arith.constant 0 : i32
    %dma_wait3A_115 = tpu.memref_slice %arg7[%dma_wait3A_112, %dma_wait3A_113, %dma_wait3A_114] : memref<4x128x128xf32, #tpu.memory_space<vmem>> -> memref<1x128x128xf32, #tpu.memory_space<vmem>>
    %dma_wait3A_116 = tpu.memref_squeeze %dma_wait3A_115 : memref<1x128x128xf32, #tpu.memory_space<vmem>> -> memref<128x128xf32, #tpu.memory_space<vmem>>
    %dma_wait3A_117 = arith.constant 0 : i32
    %dma_wait3A_118 = tpu.memref_slice %arg6[%dma_wait3A_111, %dma_wait3A_117] : memref<4x128xi32, #tpu.memory_space<vmem>> -> memref<1x128xi32, #tpu.memory_space<vmem>>
    %dma_wait3A_119 = tpu.memref_squeeze %dma_wait3A_118 : memref<1x128xi32, #tpu.memory_space<vmem>> -> memref<128xi32, #tpu.memory_space<vmem>>
    %dma_wait3A_120 = arith.constant 0 : i32
    %dma_wait3A_121 = arith.constant 0 : i32
    %dma_wait3A_122 = tpu.memref_slice %arg2[%dma_wait3A_120, %dma_wait3A_121] : memref<8192x128xf32, #tpu.memory_space<hbm>> -> memref<8192x128xf32, #tpu.memory_space<hbm>>
    tpu.wait_indirect_dma semaphore(%arg9 : memref<!tpu.dma_semaphore, #tpu.memory_space<semaphore_mem>>) src(%dma_wait3A_122 : memref<8192x128xf32, #tpu.memory_space<hbm>>) dst(%dma_wait3A_116 : memref<128x128xf32, #tpu.memory_space<vmem>>)
    %broadcast_in_dim3A_123 = arith.constant 2 : i32
    %broadcast_in_dim3A_124 = vector.broadcast %broadcast_in_dim3A_123 : i32 to vector<16xi32>
    %scan3A_125 = arith.constant 0 : i32
    %scan3A_126 = arith.constant 0 : i32
    %scan3A_127 = arith.constant 8 : i32
    %scan3A_128 = arith.addi %scan3A_126, %scan3A_127 : i32
    %scan3A_129 = arith.constant 1 : i32
    scf.for %scan3A_151 = %scan3A_126 to %scan3A_128 step %scan3A_129  : i32 {
      %mul3A_152 = arith.constant 16 : i32
      %mul3A_153 = arith.muli %scan3A_151, %mul3A_152 : i32
      %get3A = arith.constant 2 : i32
      %get3A_154 = arith.index_cast %get3A : i32 to index
      %get3A_155 = arith.index_cast %mul3A_153 : i32 to index
      %get3A_156 = tpu.vector_load %arg5[%get3A_154, %get3A_155] {strides = array<i32>} : memref<4x128xi32, #tpu.memory_space<vmem>>, vector<16xi32>,
      %and3A = arith.constant 127 : i32
      %and3A_157 = vector.broadcast %and3A : i32 to vector<16xi32>
      %and3A_158 = arith.andi %get3A_156, %and3A_157 : vector<16xi32>
      %mul3A_159 = arith.constant 16 : i32
      %mul3A_160 = arith.muli %scan3A_151, %mul3A_159 : i32
      %add3A_161 = vector.broadcast %mul3A_160 : i32 to vector<16xi32>
      %add3A_162 = arith.addi %add3A_161, %iota3A : vector<16xi32>
      %gather3A = tpu.vector_load_idx %arg7[%broadcast_in_dim3A_124, %add3A_162, %and3A_158] : memref<4x128x128xf32, #tpu.memory_space<vmem>>[vector<16xi32>, vector<16xi32>, vector<16xi32>], vector<16xf32>,
      %mul3A_163 = arith.constant 16 : i32
      %mul3A_164 = arith.muli %scan3A_151, %mul3A_163 : i32
      %swap3A = arith.constant 2 : i32
      %swap3A_165 = arith.index_cast %swap3A : i32 to index
      %swap3A_166 = arith.index_cast %mul3A_164 : i32 to index
      %swap3A_167 = tpu.vector_load %arg8[%swap3A_165, %swap3A_166] {strides = array<i32>} : memref<4x128xf32, #tpu.memory_space<vmem>>, vector<16xf32>,
      tpu.vector_store %arg8[%swap3A_165, %swap3A_166], %gather3A {strides = array<i32>} : memref<4x128xf32, #tpu.memory_space<vmem>>, vector<16xf32>,
    }
    %scan3A_130 = arith.constant 8 : i32
    %dma_wait3A_131 = arith.constant 3 : i32
    %dma_wait3A_132 = arith.constant 3 : i32
    %dma_wait3A_133 = arith.constant 0 : i32
    %dma_wait3A_134 = arith.constant 0 : i32
    %dma_wait3A_135 = tpu.memref_slice %arg7[%dma_wait3A_132, %dma_wait3A_133, %dma_wait3A_134] : memref<4x128x128xf32, #tpu.memory_space<vmem>> -> memref<1x128x128xf32, #tpu.memory_space<vmem>>
    %dma_wait3A_136 = tpu.memref_squeeze %dma_wait3A_135 : memref<1x128x128xf32, #tpu.memory_space<vmem>> -> memref<128x128xf32, #tpu.memory_space<vmem>>
    %dma_wait3A_137 = arith.constant 0 : i32
    %dma_wait3A_138 = tpu.memref_slice %arg6[%dma_wait3A_131, %dma_wait3A_137] : memref<4x128xi32, #tpu.memory_space<vmem>> -> memref<1x128xi32, #tpu.memory_space<vmem>>
    %dma_wait3A_139 = tpu.memref_squeeze %dma_wait3A_138 : memref<1x128xi32, #tpu.memory_space<vmem>> -> memref<128xi32, #tpu.memory_space<vmem>>
    %dma_wait3A_140 = arith.constant 0 : i32
    %dma_wait3A_141 = arith.constant 0 : i32
    %dma_wait3A_142 = tpu.memref_slice %arg2[%dma_wait3A_140, %dma_wait3A_141] : memref<8192x128xf32, #tpu.memory_space<hbm>> -> memref<8192x128xf32, #tpu.memory_space<hbm>>
    tpu.wait_indirect_dma semaphore(%arg9 : memref<!tpu.dma_semaphore, #tpu.memory_space<semaphore_mem>>) src(%dma_wait3A_142 : memref<8192x128xf32, #tpu.memory_space<hbm>>) dst(%dma_wait3A_136 : memref<128x128xf32, #tpu.memory_space<vmem>>)
    %broadcast_in_dim3A_143 = arith.constant 3 : i32
    %broadcast_in_dim3A_144 = vector.broadcast %broadcast_in_dim3A_143 : i32 to vector<16xi32>
    %scan3A_145 = arith.constant 0 : i32
    %scan3A_146 = arith.constant 0 : i32
    %scan3A_147 = arith.constant 8 : i32
    %scan3A_148 = arith.addi %scan3A_146, %scan3A_147 : i32
    %scan3A_149 = arith.constant 1 : i32
    scf.for %scan3A_151 = %scan3A_146 to %scan3A_148 step %scan3A_149  : i32 {
      %mul3A_152 = arith.constant 16 : i32
      %mul3A_153 = arith.muli %scan3A_151, %mul3A_152 : i32
      %get3A = arith.constant 3 : i32
      %get3A_154 = arith.index_cast %get3A : i32 to index
      %get3A_155 = arith.index_cast %mul3A_153 : i32 to index
      %get3A_156 = tpu.vector_load %arg5[%get3A_154, %get3A_155] {strides = array<i32>} : memref<4x128xi32, #tpu.memory_space<vmem>>, vector<16xi32>,
      %and3A = arith.constant 127 : i32
      %and3A_157 = vector.broadcast %and3A : i32 to vector<16xi32>
      %and3A_158 = arith.andi %get3A_156, %and3A_157 : vector<16xi32>
      %mul3A_159 = arith.constant 16 : i32
      %mul3A_160 = arith.muli %scan3A_151, %mul3A_159 : i32
      %add3A_161 = vector.broadcast %mul3A_160 : i32 to vector<16xi32>
      %add3A_162 = arith.addi %add3A_161, %iota3A : vector<16xi32>
      %gather3A = tpu.vector_load_idx %arg7[%broadcast_in_dim3A_144, %add3A_162, %and3A_158] : memref<4x128x128xf32, #tpu.memory_space<vmem>>[vector<16xi32>, vector<16xi32>, vector<16xi32>], vector<16xf32>,
      %mul3A_163 = arith.constant 16 : i32
      %mul3A_164 = arith.muli %scan3A_151, %mul3A_163 : i32
      %swap3A = arith.constant 3 : i32
      %swap3A_165 = arith.index_cast %swap3A : i32 to index
      %swap3A_166 = arith.index_cast %mul3A_164 : i32 to index
      %swap3A_167 = tpu.vector_load %arg8[%swap3A_165, %swap3A_166] {strides = array<i32>} : memref<4x128xf32, #tpu.memory_space<vmem>>, vector<16xf32>,
      tpu.vector_store %arg8[%swap3A_165, %swap3A_166], %gather3A {strides = array<i32>} : memref<4x128xf32, #tpu.memory_space<vmem>>, vector<16xf32>,
    }
    %scan3A_150 = arith.constant 8 : i32
    "tpu.region"() ({
      %run_scoped3A = tpu.sem_alloc : memref<!tpu.dma_semaphore, #tpu.memory_space<semaphore_mem>>
      %dma_start3A_151 = arith.constant 0 : i32
      %dma_start3A_152 = tpu.memref_slice %arg4[%mul3A_2, %dma_start3A_151] : memref<128x128xf32, #tpu.memory_space<hbm>> -> memref<4x128xf32, #tpu.memory_space<hbm>>
      %dma_start3A_153 = arith.constant 0 : i32
      %dma_start3A_154 = tpu.memref_slice %arg4[%mul3A_2, %dma_start3A_153] : memref<128x128xf32, #tpu.memory_space<hbm>> -> memref<4x128xf32, #tpu.memory_space<hbm>>
      tpu.enqueue_dma source(%arg8 : memref<4x128xf32, #tpu.memory_space<vmem>>) target(%dma_start3A_154 : memref<4x128xf32, #tpu.memory_space<hbm>>) target_semaphore(%run_scoped3A : memref<!tpu.dma_semaphore, #tpu.memory_space<semaphore_mem>>)
      %dma_wait3A_155 = arith.constant 0 : i32
      %dma_wait3A_156 = tpu.memref_slice %arg4[%mul3A_2, %dma_wait3A_155] : memref<128x128xf32, #tpu.memory_space<hbm>> -> memref<4x128xf32, #tpu.memory_space<hbm>>
      %dma_wait3A_157 = arith.constant 0 : i32
      %dma_wait3A_158 = tpu.memref_slice %arg4[%mul3A_2, %dma_wait3A_157] : memref<128x128xf32, #tpu.memory_space<hbm>> -> memref<4x128xf32, #tpu.memory_space<hbm>>
      tpu.wait_dma2 semaphore(%run_scoped3A : memref<!tpu.dma_semaphore, #tpu.memory_space<semaphore_mem>>) src(%arg8 : memref<4x128xf32, #tpu.memory_space<vmem>>) dst(%dma_wait3A_158 : memref<4x128xf32, #tpu.memory_space<hbm>>)
      tpu.yield
    }) : () -> ()
    return
  }
}

module attributes {stable_mosaic.version = 14 : i64} {
  func.func @body(%arg0: i32, %arg1: memref<32x128x128xf32, #tpu.memory_space<vmem>>, %arg2: memref<1x144xf32, #tpu.memory_space<vmem>>, %arg3: memref<32x128xf32, #tpu.memory_space<vmem>>) attributes {dimension_semantics = [#tpu.dimension_semantics<arbitrary>], iteration_bounds = array<i64: 4>, scalar_prefetch = 0 : i64, scratch_operands = 0 : i64, tpu.core_type = #tpu.core_type<tc>, window_params = [{transform_indices = @transform_0, window_bounds = array<i64: 32, 128, 128>}, {pipeline_mode = #tpu.pipeline_mode<synchronous>, transform_indices = @transform_1, window_bounds = array<i64: 1, 144>}, {transform_indices = @transform_2, window_bounds = array<i64: 32, 128>}]} {
    %get3A = arith.constant 0 : index
    %get3A_0 = arith.constant 0 : index
    %get3A_1 = vector.load %arg2[%get3A, %get3A_0] : memref<1x144xf32, #tpu.memory_space<vmem>>, vector<1x128xf32>
    %get3A_2 = arith.constant 0 : index
    %get3A_3 = arith.constant 0 : index
    %get3A_4 = arith.constant 0 : index
    %get3A_5 = vector.load %arg1[%get3A_2, %get3A_3, %get3A_4] : memref<32x128x128xf32, #tpu.memory_space<vmem>>, vector<32x128x128xf32>
    %broadcast_in_dim3A = vector.shape_cast %get3A_1 : vector<1x128xf32> to vector<1x1x128xf32>
    %mul3A = vector.broadcast %broadcast_in_dim3A : vector<1x1x128xf32> to vector<32x128x128xf32>
    %mul3A_6 = arith.mulf %get3A_5, %mul3A : vector<32x128x128xf32>
    %reduce_sum3A = arith.constant dense<0.000000e+00> : vector<32x128xf32>
    %reduce_sum3A_7 = vector.multi_reduction <add>, %mul3A_6, %reduce_sum3A [2] : vector<32x128x128xf32> to vector<32x128xf32>
    %swap3A = arith.constant 0 : index
    %swap3A_8 = arith.constant 0 : index
    %swap3A_9 = vector.load %arg3[%swap3A, %swap3A_8] : memref<32x128xf32, #tpu.memory_space<vmem>>, vector<32x128xf32>
    tpu.vector_store %arg3[%swap3A, %swap3A_8], %reduce_sum3A_7 {strides = array<i32>} : memref<32x128xf32, #tpu.memory_space<vmem>>, vector<32x128xf32>,
    return
  }
  func.func @transform_0(%arg0: i32) -> (i32, i32, i32) {
    %c0_i32 = arith.constant 0 : i32
    %c0_i32_0 = arith.constant 0 : i32
    %c0_i32_1 = arith.constant 0 : i32
    return %arg0, %c0_i32, %c0_i32_0 : i32, i32, i32
  }
  func.func @transform_1(%arg0: i32) -> (i32, i32) {
    %c0_i32 = arith.constant 0 : i32
    %c0_i32_0 = arith.constant 0 : i32
    %c0_i32_1 = arith.constant 0 : i32
    return %c0_i32, %c0_i32_0 : i32, i32
  }
  func.func @transform_2(%arg0: i32) -> (i32, i32) {
    %c0_i32 = arith.constant 0 : i32
    %c0_i32_0 = arith.constant 0 : i32
    return %arg0, %c0_i32 : i32, i32
  }
}

module attributes {stable_mosaic.version = 14 : i64} {
  func.func @body(%arg0: i32, %arg1: memref<16x131072xf32, #tpu.memory_space<vmem>>, %arg2: memref<1x144xf32, #tpu.memory_space<vmem>>, %arg3: memref<1024x128xf32, #tpu.memory_space<vmem>>) attributes {dimension_semantics = [#tpu.dimension_semantics<arbitrary>], iteration_bounds = array<i64: 8>, scalar_prefetch = 0 : i64, scratch_operands = 0 : i64, tpu.core_type = #tpu.core_type<tc>, window_params = [{transform_indices = @transform_0, window_bounds = array<i64: 16, 131072>}, {pipeline_mode = #tpu.pipeline_mode<synchronous>, transform_indices = @transform_1, window_bounds = array<i64: 1, 144>}, {transform_indices = @transform_2, window_bounds = array<i64: 1024, 128>}]} {
    %get3A = arith.constant 0 : index
    %get3A_0 = arith.constant 128 : index
    %get3A_1 = vector.load %arg2[%get3A, %get3A_0] : memref<1x144xf32, #tpu.memory_space<vmem>>, vector<1x16xf32>
    %get3A_2 = vector.shape_cast %get3A_1 : vector<1x16xf32> to vector<16xf32>
    %reshape3A = vector.shape_cast %get3A_2 : vector<16xf32> to vector<16x1xf32>
    %get3A_3 = arith.constant 0 : index
    %get3A_4 = arith.constant 0 : index
    %get3A_5 = vector.load %arg1[%get3A_3, %get3A_4] : memref<16x131072xf32, #tpu.memory_space<vmem>>, vector<16x131072xf32>
    %mul3A = vector.broadcast %reshape3A : vector<16x1xf32> to vector<16x131072xf32>
    %mul3A_6 = arith.mulf %get3A_5, %mul3A : vector<16x131072xf32>
    %reduce_sum3A = arith.constant dense<0.000000e+00> : vector<131072xf32>
    %reduce_sum3A_7 = vector.multi_reduction <add>, %mul3A_6, %reduce_sum3A [0] : vector<16x131072xf32> to vector<131072xf32>
    %reshape3A_8 = vector.shape_cast %reduce_sum3A_7 : vector<131072xf32> to vector<1024x128xf32>
    %swap3A = arith.constant 0 : index
    %swap3A_9 = arith.constant 0 : index
    %swap3A_10 = vector.load %arg3[%swap3A, %swap3A_9] : memref<1024x128xf32, #tpu.memory_space<vmem>>, vector<1024x128xf32>
    tpu.vector_store %arg3[%swap3A, %swap3A_9], %reshape3A_8 {strides = array<i32>} : memref<1024x128xf32, #tpu.memory_space<vmem>>, vector<1024x128xf32>,
    return
  }
  func.func @transform_0(%arg0: i32) -> (i32, i32) {
    %c0_i32 = arith.constant 0 : i32
    %c0_i32_0 = arith.constant 0 : i32
    return %c0_i32, %arg0 : i32, i32
  }
  func.func @transform_1(%arg0: i32) -> (i32, i32) {
    %c0_i32 = arith.constant 0 : i32
    %c0_i32_0 = arith.constant 0 : i32
    %c0_i32_1 = arith.constant 0 : i32
    return %c0_i32, %c0_i32_0 : i32, i32
  }
  func.func @transform_2(%arg0: i32) -> (i32, i32) {
    %c0_i32 = arith.constant 0 : i32
    %c0_i32_0 = arith.constant 0 : i32
    return %arg0, %c0_i32 : i32, i32
  }
}

module attributes {stable_mosaic.version = 14 : i64} {
  func.func @body(%arg0: memref<1xf32, #tpu.memory_space<smem>>, %arg1: memref<128x128xf32, #tpu.memory_space<vmem>>, %arg2: memref<128x128xf32, #tpu.memory_space<vmem>>, %arg3: memref<128x128xf32, #tpu.memory_space<vmem>>) attributes {dimension_semantics = [], scalar_prefetch = 0 : i64, scratch_operands = 0 : i64, tpu.core_type = #tpu.core_type<tc>} {
    %get3A = arith.constant 0 : index
    %get3A_0 = arith.constant 0 : index
    %get3A_1 = vector.load %arg1[%get3A, %get3A_0] : memref<128x128xf32, #tpu.memory_space<vmem>>, vector<128x128xf32>
    %get3A_2 = arith.constant 0 : index
    %get3A_3 = arith.constant 0 : index
    %get3A_4 = vector.load %arg2[%get3A_2, %get3A_3] : memref<128x128xf32, #tpu.memory_space<vmem>>, vector<128x128xf32>
    %add3A = arith.addf %get3A_1, %get3A_4 : vector<128x128xf32>
    %get3A_5 = arith.constant 0 : index
    %get3A_6 = memref.load %arg0[%get3A_5] : memref<1xf32, #tpu.memory_space<smem>>
    %add3A_7 = vector.broadcast %get3A_6 : f32 to vector<128x128xf32>
    %add3A_8 = arith.addf %add3A, %add3A_7 : vector<128x128xf32>
    %logistic3A = arith.negf %add3A_8 : vector<128x128xf32>
    %logistic3A_9 = math.exp %logistic3A : vector<128x128xf32>
    %logistic3A_10 = arith.constant 1.000000e+00 : f32
    %logistic3A_11 = vector.broadcast %logistic3A_10 : f32 to vector<128x128xf32>
    %logistic3A_12 = arith.addf %logistic3A_11, %logistic3A_9 : vector<128x128xf32>
    %logistic3A_13 = arith.divf %logistic3A_11, %logistic3A_12 : vector<128x128xf32>
    %swap3A = arith.constant 0 : index
    %swap3A_14 = arith.constant 0 : index
    %swap3A_15 = vector.load %arg3[%swap3A, %swap3A_14] : memref<128x128xf32, #tpu.memory_space<vmem>>, vector<128x128xf32>
    tpu.vector_store %arg3[%swap3A, %swap3A_14], %logistic3A_13 {strides = array<i32>} : memref<128x128xf32, #tpu.memory_space<vmem>>, vector<128x128xf32>,
    return
  }
}

</mosaic_0001>

<sc_bundles>
// kernel: kernel.6.cloned.1.call-start
scs
__scs_entry_jumppad:
0x0: {  	(pc) =	sbr.rel $0x88, $3  }
0x1: {  	(tag) =	ssettag $0x0;
	lr =	simm.s32 $0x1  }
0x2: {  	[smem:$0x3F9C] =	sst lr;
	_ =	strace $0xD0000000  }
0x3: {  	_ = 	snop  }
0x4: {  	_ = 	snop  }
0x5: {  	_ = 	snop  }
0x6: {  	_ = 	snop  }
0x7: {  	_ = 	snop  }
__scs_overlays_trampoline_lowered:
0x8: {  	[smem:$0x3FAB] =	sst s0  }
0x9: {  	[smem:$0x3FAC] =	sst s1  }
0xa: {  	[smem:$0x3FAD] =	sst s2  }
0xb: {  	[smem:$0x3FAE] =	sst s3  }
0xc: {  	[smem:$0x3FAF] =	sst s4  }
0xd: {  	[smem:$0x3FB0] =	sst s5  }
0xe: {  	[smem:$0x3FB1] =	sst s6  }
0xf: {  	[smem:$0x3FB2] =	sst s7  }
0x10: {  	[smem:$0x3FB3] =	sst s8  }
0x11: {  	[smem:$0x3FB4] =	sst s9;
	s0 =	simm.s32 @!p0 $0x0  }
0x12: {  	s1 =	sld [smem:$0x3F9A];
	s0 =	simm.s32 @p0 $0x1  }
0x13: {  	[smem:$0x3FB5] =	sst s0;
	s0 =	simm.s32 @!p1 $0x0  }
0x14: {  	s2 =	sld [smem:$0x3F99];
	s0 =	simm.s32 @p1 $0x1  }
0x15: {  	[smem:$0x3FB6] =	sst s0;
	s0 =	simm.s32 @!p2 $0x0  }
0x16: {  	s3 =	sld [smem:$0x3FDB];
	s0 =	simm.s32 @p2 $0x1  }
0x17: {  	s4 =	simm.s32 $0x1BF5;
	[smem:$0x3FB8] =	sst s0  }
0x18: {  	s0 =	sld [smem:$0x3F9B];
	_ =	swait.ge [sflag:s4], $0x0  }
0x19: {  	s7 =	sld [smem:$0x3F9C]  }
0x1a: {  	s8 =	sadd.s32 $0xFFFFE003, lr  }
0x1b: {  	s9 =	sadd.s32 $0xFFFFFEF7, lr;
	s5 =	simm.s32 $0xFFFFFFFF;
	p2 =	slt.u32 s8, $0xFFFFF086  }
0x1c: {  	p1 =	slt.u32 s9, $0xF7A;
	s5 =	simm.s32 @!p2 $0x0  }
0x1d: {  	s5 =	simm.s32 @p1 $0x1;
	p0 =	seq.s32 s7, s2  }
0x1e: {  	s7 =	smul.u32 @!p0 $0xF7A, s2;
	p2 =	seq.s32 @!p0 s5, $0x0  }
0x1f: {  	s9 =	smul.u32 $0xF7A, s1;
	s8 =	simm.s32 @!p0 $0x1BF5;
	p2 =	por !p2, p0  }
0x20: {  	[sflag:s8] =	ssyncset.s32 @!p0 $0xFFFFF086;
	s6 =	sadd.s32 @!p0 s3, s7;
	s7 =	simm.s32 @!p0 $0x108  }
0x21: {  	s3 =	sadd.s32 s3, s9;
	s6 =	sadd.s32 @!p0 $0x88, s6;
	s7 =	simm.s32 @p2 $0x1082  }
0x22: {  	[simem:s7], [sflag:s8] =	dma.local @!p0 [hbm:s6], $0xF7A  }
0x23: {  	s9 =	sor.u32 $0xD0000000, s2;
	s6 =	simm.s32 $0x108;
	_ =	swait.ge @!p0 [sflag:s8], $0x0  }
0x24: {  	s3 =	sadd.s32 $0x88, s3;
	s6 =	simm.s32 @!p1 $0x1082;
	[sflag:s4] =	ssyncset.s32 $0xFFFFF086  }
0x25: {  	[simem:s6], [sflag:s4] =	dma.local [hbm:s3], $0xF7A  }
0x26: {  	[smem:$0x3F9C] =	sst s1;
	(tag) =	ssettag s2;
	_ =	strace s9  }
0x27: {  	s1 =	sld [smem:$0x3FAC]  }
0x28: {  	s2 =	sld [smem:$0x3FAD]  }
0x29: {  	s4 =	sld [smem:$0x3FAF]  }
0x2a: {  	p0 =	seq.s32 s5, $0x0;
	s5 =	sld [smem:$0x3FB0]  }
0x2b: {  	s6 =	sld [smem:$0x3FB1]  }
0x2c: {  	s7 =	sld [smem:$0x3FB2]  }
0x2d: {  	s3 =	simm.s32 $0x108;
	s8 =	sld [smem:$0x3FB3]  }
0x2e: {  	s3 =	simm.s32 @!p0 $0x1082;
	s9 =	sld [smem:$0x3FB4]  }
0x2f: {  	lr =	sadd.s32 s0, s3;
	s0 =	sld [smem:$0x3FAB]  }
0x30: {  	s3 =	sld [smem:$0x3FAE]  }
0x31: {  	[smem:$0x3FB7] =	sst s10  }
0x32: {  	s10 =	sld [smem:$0x3FB5];
	_ =	sdelay $0x3  }
0x33: {  	p0 =	seq.s32 s10, $0x1;
	s10 =	sld [smem:$0x3FB7];
	_ =	sdelay $0x3  }
0x34: {  	[smem:$0x3FB7] =	sst s10  }
0x35: {  	s10 =	sld [smem:$0x3FB6];
	_ =	sdelay $0x3  }
0x36: {  	p1 =	seq.s32 s10, $0x1;
	s10 =	sld [smem:$0x3FB7];
	_ =	sdelay $0x3  }
0x37: {  	[smem:$0x3FB7] =	sst s10  }
0x38: {  	s10 =	sld [smem:$0x3FB8]  }
0x39: {  	_ = 	snop;
	(pc) =	sbr.ind lr, $3  }
0x3a: {  	_ = 	snop  }
0x3b: {  	_ = 	snop  }
0x3c: {  	p2 =	seq.s32 s10, $0x1;
	s10 =	sld [smem:$0x3FB7]  }
0x3d: {  	_ =	shalt  }
0x3e: {  	_ =	shalt  }
0x3f: {  	_ =	shalt  }
0x40: {  	_ =	shalt  }
0x41: {  	_ =	shalt  }
0x42: {  	_ =	shalt  }
0x43: {  	_ =	shalt  }
0x44: {  	_ =	shalt  }
0x45: {  	_ =	shalt  }
0x46: {  	_ =	shalt  }
0x47: {  	_ =	shalt  }
0x48: {  	_ =	shalt  }
0x49: {  	_ =	shalt  }
0x4a: {  	_ =	shalt  }
0x4b: {  	_ =	shalt  }
0x4c: {  	_ =	shalt  }
0x4d: {  	_ =	shalt  }
0x4e: {  	_ =	shalt  }
0x4f: {  	_ =	shalt  }
0x50: {  	_ =	shalt  }
0x51: {  	_ =	shalt  }
0x52: {  	_ =	shalt  }
0x53: {  	_ =	shalt  }
0x54: {  	_ =	shalt  }
0x55: {  	_ =	shalt  }
0x56: {  	_ =	shalt  }
0x57: {  	_ =	shalt  }
0x58: {  	_ =	shalt  }
0x59: {  	_ =	shalt  }
0x5a: {  	_ =	shalt  }
0x5b: {  	_ =	shalt  }
0x5c: {  	_ =	shalt  }
0x5d: {  	_ =	shalt  }
0x5e: {  	_ =	shalt  }
0x5f: {  	_ =	shalt  }
0x60: {  	_ =	shalt  }
0x61: {  	_ =	shalt  }
0x62: {  	_ =	shalt  }
0x63: {  	_ =	shalt  }
0x64: {  	_ =	shalt  }
0x65: {  	_ =	shalt  }
0x66: {  	_ =	shalt  }
0x67: {  	_ =	shalt  }
0x68: {  	_ =	shalt  }
0x69: {  	_ =	shalt  }
0x6a: {  	_ =	shalt  }
0x6b: {  	_ =	shalt  }
0x6c: {  	_ =	shalt  }
0x6d: {  	_ =	shalt  }
0x6e: {  	_ =	shalt  }
0x6f: {  	_ =	shalt  }
0x70: {  	_ =	shalt  }
0x71: {  	_ =	shalt  }
0x72: {  	_ =	shalt  }
0x73: {  	_ =	shalt  }
0x74: {  	_ =	shalt  }
0x75: {  	_ =	shalt  }
0x76: {  	_ =	shalt  }
0x77: {  	_ =	shalt  }
0x78: {  	_ =	shalt  }
0x79: {  	_ =	shalt  }
0x7a: {  	_ =	shalt  }
0x7b: {  	_ =	shalt  }
0x7c: {  	_ =	shalt  }
0x7d: {  	_ =	shalt  }
0x7e: {  	_ =	shalt  }
0x7f: {  	_ =	shalt  }
0x80: {  	_ =	shalt  }
0x81: {  	_ =	shalt  }
0x82: {  	_ =	shalt  }
0x83: {  	_ =	shalt  }
0x84: {  	_ =	shalt  }
0x85: {  	_ =	shalt  }
0x86: {  	_ =	shalt  }
0x87: {  	_ =	shalt  }
.Lfunc_end0:
.L_simem_size_0:
called_computation_lowered:
.L_overlay_start_0:
0x88: {  	s2 =	sld [smem:$0x3FD9]  }
0x89: {  	s3 =	sld [smem:$0x3FFE];
	_ =	sdelay $0x1  }
0x8a: {  	s1 =	srdreg.scid  }
0x8b: {  	s0 =	sand.u32 $0x1, s1  }
0x8c: {  	s17 =	sshll.u32 s0, $0xA;
	s2 =	sadd.s32 s3, s2  }
0x8d: {  	s2 =	sadd.s32 s2, s17  }
0x8e: {  	[smem:$0x3FC3] =	sst s2  }
0x8f: {  	_ = 	snop  }
0x90: {  	s2 =	sld [smem:$0x3FC8]  }
0x91: {  	s18 =	sld [smem:$0x3FD0];
	(tm) =	ssettm $0x1  }
0x92: {  	s4 =	sld [smem:$0x3FFB];
	_ =	sdelay $0x3  }
0x93: {  	_ =	strace s4  }
0x94: {  	s4 =	sld [smem:$0x3FFC];
	_ =	sdelay $0x3  }
0x95: {  	_ =	strace s4  }
0x96: {  	s4 =	sld [smem:$0x3FFD];
	_ =	sdelay $0x3  }
0x97: {  	_ =	strace s4  }
0x98: {  	_ =	strace $0x8FFFFFFF  }
0x99: {  	s19 =	sld [smem:$0x3FDB];
	_ =	sdelay $0x1  }
0x9a: {  	s5 =	simm.s32 $_scs_section_size  }
0x9b: {  	s6 =	simm.s32 $_size__tile_overlayer_lowered;
	s7 =	simm.s32 $_tile_overlayer_lowered  }
0x9c: {  	s22 =	simm.s32 $0x1BFF;
	s21 =	sshll.u32 s7, $0x1;
	s4 =	sadd.s32 s5, s19  }
0x9d: {  	s8 =	simm.s32 $0x0;
	s20 =	sshll.u32 s6, $0x1;
	s6 =	sadd.s32 s21, s4  }
0x9e: {  	[timem:s8], [sflag:s22] =	dma.local [hbm:s6], s20  }
0x9f: {  	_ =	swait.ge [sflag:s22], s20  }
0xa0: {  	s5 =	ssub.s32 $0x0, s20;
	[sflag:s22] =	ssyncset.done $0x0  }
0xa1: {  	[sflag:s22] =	ssyncadd.s32 s5;
	_ =	sdelay $0x1  }
0xa2: {  	s23 =	simm.s32 $0x1B8B  }
0xa3: {  	_ =	swait.ge [sflag:s23], $0x1  }
0xa4: {  	[sflag:s23] =	ssyncset.done $0x0  }
0xa5: {  	s25 =	simm.s32 $0x1B8E;
	s24 =	sld [smem:$0x3FFE];
	[sflag:s23] =	ssyncadd.s32 $0xFFFFFFFF  }
0xa6: {  	s26 =	simm.s32 $execute0_lowered;
	[smem:$0x3FD2] =	sst s25  }
0xa7: {  	s6 =	sshll.u32 s26, $0x1;
	_ =	strace $0x80000046;
	[dreg:$0x1] =	wrdreg $0xFFFFFFFF  }
0xa8: {  	s28 =	simm.s32 $_size_execute0_lowered;
	s4 =	sadd.s32 s4, s6;
	[dreg:$0x0] =	wrdreg $0x0  }
0xa9: {  	s6 =	sshll.u32 s28, $0x1;
	[dreg:$0x2] =	wrdreg s4  }
0xaa: {  	[dreg:$0x3] =	wrdreg s6  }
0xab: {  	[dreg:$0x4] =	wrdreg $0xC0  }
0xac: {  	_ =	task [dreg:s8], $0x5FFFF  }
0xad: {  	[dreg:$0x1] =	wrdreg $0xFFFFFFFF  }
0xae: {  	[dreg:$0x0] =	wrdreg $0x60  }
0xaf: {  	[dreg:$0x2] =	wrdreg s24  }
0xb0: {  	[dreg:$0x3] =	wrdreg s2  }
0xb1: {  	[dreg:$0x4] =	wrdreg s18  }
0xb2: {  	[dreg:$0x5] =	wrdreg $0x9  }
0xb3: {  	_ =	task.clear_ibuf [dreg:s8], $0x6FFFF;
	_ =	strace $0x90000046  }
0xb4: {  	s29 =	simm.s32 $0x9;
	_ =	strace $0x80000048  }
0xb5: {  	_ =	swait.ge [sflag:s29], $0x1  }
0xb6: {  	[sflag:s29] =	ssyncadd.s32 $0xFFFFFFFF  }
0xb7: {  	_ =	strace $0x90000048  }
0xb8: {  	_ =	sfence  }
0xb9: {  	s30 =	sld [smem:$0x0];
	_ =	sdelay $0x2  }
0xba: {  	s31 =	sshll.u32 s1, $0xD;
	s1 =	sshrl.u32 s1, $0x2  }
0xbb: {  	s3 =	sand.u32 $0x4000, s31;
	s1 =	sadd.s32 s1, s30  }
0xbc: {  	s0 =	sor.u32 s3, s0;
	s1 =	sshll.u32 s1, $0x11  }
0xbd: {  	s0 =	sor.u32 s1, s0  }
0xbe: {  	s0 =	sadd.s32 $0x8F2B, s0  }
0xbf: {  	[sflag:s0] =	ssyncadd.remote.s32 $0x1  }
0xc0: {  	_ =	sfence.sel $0xFFFF  }
0xc1: {  	[dreg:$0x0] =	wrdreg $0xFFFFFFFF;
	(pc) =	sbr.abs _section_cstart, $3  }
0xc2: {  	[dreg:$0x1] =	wrdreg $0xFFFFFFFF  }
0xc3: {  	_ =	task.clear_ibuf [dreg:s8], $0x2FFFF;
	_ =	strace $0x9FFFFFFF  }
0xc4: {  	(tm) =	ssettm $0x7FFFFFFF  }
0xc5: {  	_ =	shalt  }
tec
execute0_lowered:
.L_overlay_start_1:
0x0: {  	(tag) =	ssettag $0x1  }
0x1: {  	s3 =	rddreg [dreg:$0x0]  }
0x2: {  	s4 =	rddreg [dreg:$0x1]  }
0x3: {  	s5 =	rddreg [dreg:$0x2]  }
0x4: {  	s0 =	rddreg [dreg:$0x3];
	s2 =	simm.s32 $0x0;
	s6 =	srdreg.scid  }
0x5: {  	s1 =	stileid.u32;
	s10 =	simm.s32 $0x400;
	s11 =	simm.s32 $0x280  }
0x6: {  	s12 =	simm.s32 $0x4400;
	s13 =	simm.s32 $0x300;
	s14 =	simm.s32 $0x8400  }
0x7: {  	s15 =	simm.s32 $0x380;
	s16 =	simm.s32 $0xC400;
	s17 =	simm.s32 $0x1  }
0x8: {  	s18 =	simm.s32 $0x10400;
	s19 =	simm.s32 $0x0;
	[smem:$0x7FF] =	sst s2  }
0x9: {  	s6 =	sand.u32 $0x1, s6;
	s8 =	sshll.u32 s1, $0x7;
	s3 =	sadd.s32 $0x1200, s3  }
0xa: {  	s7 =	ssub.s32 $0x2, s6;
	s6 =	sshll.u32 s6, $0x6;
	_ =	strace $0x80000047  }
0xb: {  	s9 =	sshrl.u32 s7, $0x1;
	s6 =	sor.u32 s6, s8;
	s8 =	simm.s32 $0x80  }
0xc: {  	v0 =	vlaneseq.u32;
	s7 =	ssub.s32 s7, s9;
	s4 =	sadd.s32 s4, s6;
	s5 =	sadd.s32 s5, s6  }
0xd: {  	v0 =	vmul.u32 $0x80, v0;
	s9 =	simm.s32 $0x200;
	s6 =	smax.u32 s7, $0x1;
	s7 =	simm.s32 $0x2  }
.LBB2_1:
0xe: {  	[tilespmem:s2], [sflag:$0x2] =	stream.linear.gather [hbm4b:s4+s2], $0x200, $0x38;
	[tilespmem:$0x10600] =	vst v63  }
0xf: {  	_ =	swait.ge [sflag:s7], $0x200  }
0x10: {  	[sflag:s7] =	ssyncset.done $0x0  }
0x11: {  	[sflag:s7] =	ssyncadd.s32 $0xFFFFFE00  }
0x12: {  	v1 =	vld [tilespmem:$0x0]  }
0x13: {  	v2 =	vld [tilespmem:$0x10]  }
0x14: {  	v3 =	vld [tilespmem:$0x20]  }
0x15: {  	v4 =	vld [tilespmem:$0x30]  }
0x16: {  	v5 =	vld [tilespmem:$0x40]  }
0x17: {  	v6 =	vld [tilespmem:$0x50];
	v1 =	vshrl.u32 v1, $0x7  }
0x18: {  	[tilespmem:$0x200] =	vst v1;
	v1 =	vshrl.u32 v2, $0x7;
	v2 =	vld [tilespmem:$0x60]  }
0x19: {  	[tilespmem:$0x210] =	vst v1;
	v1 =	vshrl.u32 v3, $0x7;
	v3 =	vld [tilespmem:$0x70]  }
0x1a: {  	v49 =	vld [tilespmem:$0x80];
	[tilespmem:$0x220] =	vst v1;
	v1 =	vshrl.u32 v4, $0x7  }
0x1b: {  	v50 =	vld [tilespmem:$0x90];
	[tilespmem:$0x230] =	vst v1;
	v1 =	vshrl.u32 v5, $0x7  }
0x1c: {  	v51 =	vld [tilespmem:$0xA0];
	[tilespmem:$0x240] =	vst v1;
	v1 =	vshrl.u32 v6, $0x7  }
0x1d: {  	[tilespmem:$0x250] =	vst v1;
	v1 =	vshrl.u32 v2, $0x7;
	v2 =	vld [tilespmem:$0xB0]  }
0x1e: {  	[tilespmem:$0x260] =	vst v1;
	v1 =	vshrl.u32 v3, $0x7;
	v3 =	vld [tilespmem:$0xC0]  }
0x1f: {  	v52 =	vld [tilespmem:$0xD0];
	[tilespmem:$0x270] =	vst v1;
	v1 =	vshrl.u32 v49, $0x7  }
0x20: {  	v53 =	vld [tilespmem:$0xE0];
	[tilespmem:$0x280] =	vst v1;
	v1 =	vshrl.u32 v50, $0x7  }
0x21: {  	v54 =	vld [tilespmem:$0xF0];
	[tilespmem:$0x290] =	vst v1;
	v1 =	vshrl.u32 v51, $0x7  }
0x22: {  	[tilespmem:$0x2A0] =	vst v1;
	v1 =	vshrl.u32 v2, $0x7;
	v2 =	vld [tilespmem:$0x100]  }
0x23: {  	[tilespmem:$0x2B0] =	vst v1;
	v1 =	vshrl.u32 v3, $0x7;
	v3 =	vld [tilespmem:$0x110]  }
0x24: {  	v55 =	vld [tilespmem:$0x120];
	[tilespmem:$0x2C0] =	vst v1;
	v1 =	vshrl.u32 v52, $0x7  }
0x25: {  	v56 =	vld [tilespmem:$0x130];
	[tilespmem:$0x2D0] =	vst v1;
	v1 =	vshrl.u32 v53, $0x7  }
0x26: {  	v57 =	vld [tilespmem:$0x140];
	[tilespmem:$0x2E0] =	vst v1;
	v1 =	vshrl.u32 v54, $0x7  }
0x27: {  	[tilespmem:$0x2F0] =	vst v1;
	v1 =	vshrl.u32 v2, $0x7;
	v2 =	vld [tilespmem:$0x150]  }
0x28: {  	[tilespmem:$0x300] =	vst v1;
	v1 =	vshrl.u32 v3, $0x7;
	v3 =	vld [tilespmem:$0x160]  }
0x29: {  	v58 =	vld [tilespmem:$0x170];
	[tilespmem:$0x310] =	vst v1;
	v1 =	vshrl.u32 v55, $0x7  }
0x2a: {  	v59 =	vld [tilespmem:$0x180];
	[tilespmem:$0x320] =	vst v1;
	v1 =	vshrl.u32 v56, $0x7  }
0x2b: {  	v60 =	vld [tilespmem:$0x190];
	[tilespmem:$0x330] =	vst v1;
	v1 =	vshrl.u32 v57, $0x7  }
0x2c: {  	[tilespmem:$0x340] =	vst v1;
	v1 =	vshrl.u32 v2, $0x7;
	v2 =	vld [tilespmem:$0x1A0]  }
0x2d: {  	[tilespmem:$0x350] =	vst v1;
	v1 =	vshrl.u32 v3, $0x7;
	v3 =	vld [tilespmem:$0x1B0]  }
0x2e: {  	v61 =	vld [tilespmem:$0x1C0];
	[tilespmem:$0x360] =	vst v1;
	v1 =	vshrl.u32 v58, $0x7  }
0x2f: {  	v62 =	vld [tilespmem:$0x1D0];
	[tilespmem:$0x370] =	vst v1;
	v1 =	vshrl.u32 v59, $0x7  }
0x30: {  	v63 =	vld [tilespmem:$0x1E0];
	[tilespmem:$0x380] =	vst v1;
	v1 =	vshrl.u32 v60, $0x7  }
0x31: {  	[tilespmem:$0x390] =	vst v1;
	v1 =	vshrl.u32 v2, $0x7;
	v2 =	vld [tilespmem:$0x1F0]  }
0x32: {  	[tilespmem:$0x3A0] =	vst v1;
	v1 =	vshrl.u32 v3, $0x7  }
0x33: {  	[tilespmem:$0x3B0] =	vst v1;
	v1 =	vshrl.u32 v61, $0x7  }
0x34: {  	[tilespmem:$0x3C0] =	vst v1;
	v1 =	vshrl.u32 v62, $0x7  }
0x35: {  	[tilespmem:$0x3D0] =	vst v1;
	v1 =	vshrl.u32 v63, $0x7  }
0x36: {  	[tilespmem:$0x3E0] =	vst v1;
	v1 =	vshrl.u32 v2, $0x7  }
0x37: {  	[tilespmem:$0x3F0] =	vst v1  }
0x38: {  	[tilespmem:s10], [sflag:$0x1] =	stream.indirect.gather [hbm4b:s3+s8], $0x80, s9, s8, $0xb8;
	[tilespmem:$0x10600] =	vst v63  }
0x39: {  	_ = 	snop  }
0x3a: {  	[tilespmem:s12], [sflag:$0x1] =	stream.indirect.gather [hbm4b:s3+s8], $0x80, s11, s8, $0xb8;
	[tilespmem:$0x10600] =	vst v63  }
0x3b: {  	_ = 	snop  }
0x3c: {  	[tilespmem:s14], [sflag:$0x1] =	stream.indirect.gather [hbm4b:s3+s8], $0x80, s13, s8, $0xb8;
	[tilespmem:$0x10600] =	vst v63  }
0x3d: {  	_ = 	snop  }
0x3e: {  	[tilespmem:s16], [sflag:$0x1] =	stream.indirect.gather [hbm4b:s3+s8], $0x80, s15, s8, $0xb8;
	[tilespmem:$0x10600] =	vst v63  }
0x3f: {  	_ =	swait.ge [sflag:s17], $0x4000  }
0x40: {  	[sflag:s17] =	ssyncset.done $0x0  }
0x41: {  	[sflag:s17] =	ssyncadd.s32 $0xFFFFC000  }
0x42: {  	v1 =	vld [tilespmem:s2+$0x0];
	_ =	sdelay $0x2  }
0x43: {  	v2 =	vmov s2  }
0x44: {  	v2 =	vshll.u32 v2, $0x7  }
0x45: {  	v2 =	vor.u32 v0, v2;
	v1 =	vand.u32 $0x7F, v1  }
0x46: {  	v1 =	vor.u32 v2, v1;
	_ =	sdelay $0x4  }
0x47: {  	v1 =	vld.idx.msk [tilespmem:v1+s10+$0x0], $0xffff;
	_ =	sdelay $0x4  }
0x48: {  	s21 =	simm.s32 $0x10;
	[tilespmem:s18+$0x0] =	vst v1  }
0x49: {  	s22 =	simm.s32 $0x20;
	s20 =	simm.s32 $0x10400;
	s23 =	simm.s32 $0x10;
	v1 =	vld [tilespmem:s21+$0x0]  }
.LBB2_2:
0x4a: {  	p0 =	sne.s32 s22, $0x70;
	_ =	sdelay $0x1  }
0x4b: {  	v2 =	vmov s21;
	s21 =	smov.u32 s22  }
0x4c: {  	v2 =	vshll.u32 v2, $0x7  }
0x4d: {  	v2 =	vor.u32 v0, v2;
	v1 =	vand.u32 $0x7F, v1  }
0x4e: {  	v1 =	vor.u32 v2, v1;
	_ =	sdelay $0x4  }
0x4f: {  	v1 =	vld.idx.msk [tilespmem:v1+s10+$0x0], $0xffff;
	_ =	sdelay $0x2  }
.Ltmp0:
0x50: {  	(pc) =	sbr.rel @p0 .LBB2_2-.Ltmp0, $4  }
0x51: {  	_ = 	snop  }
0x52: {  	s20 =	sadd.s32 $0x10, s20  }
0x53: {  	s23 =	sadd.s32 $0x10, s23;
	[tilespmem:s20+$0x0] =	vst v1  }
0x54: {  	s22 =	sadd.s32 $0x10, s22;
	v1 =	vld [tilespmem:s23+$0x0]  }
0x55: {  	_ =	sdelay $0x1  }
0x56: {  	v2 =	vmov s21  }
0x57: {  	v2 =	vshll.u32 v2, $0x7  }
0x58: {  	v2 =	vor.u32 v0, v2;
	v1 =	vand.u32 $0x7F, v1  }
0x59: {  	v1 =	vor.u32 v2, v1;
	_ =	sdelay $0x4  }
0x5a: {  	v1 =	vld.idx.msk [tilespmem:v1+s10+$0x0], $0xffff;
	_ =	sdelay $0x3  }
0x5b: {  	s20 =	sadd.s32 $0x10, s20  }
0x5c: {  	[tilespmem:s20+$0x0] =	vst v1  }
0x5d: {  	_ =	swait.ge [sflag:s17], $0x4000  }
0x5e: {  	[sflag:s17] =	ssyncset.done $0x0  }
0x5f: {  	s30 =	simm.s32 $0x80;
	[sflag:s17] =	ssyncadd.s32 $0xFFFFC000  }
0x60: {  	v1 =	vld [tilespmem:s30+$0x0];
	_ =	sdelay $0x1  }
0x61: {  	s31 =	simm.s32 $0x0  }
0x62: {  	v2 =	vmov s31  }
0x63: {  	v2 =	vshll.u32 v2, $0x7  }
0x64: {  	v2 =	vor.u32 v0, v2;
	v1 =	vand.u32 $0x7F, v1  }
0x65: {  	v1 =	vor.u32 v1, v2  }
0x66: {  	v1 =	vadd.s32 $0x4000, v1;
	_ =	sdelay $0x4  }
0x67: {  	v1 =	vld.idx.msk [tilespmem:v1+s10+$0x0], $0xffff;
	_ =	sdelay $0x3  }
0x68: {  	s20 =	simm.s32 $0x10480  }
0x69: {  	s21 =	simm.s32 $0x90;
	[tilespmem:s20+$0x0] =	vst v1  }
0x6a: {  	s22 =	simm.s32 $0x10;
	s23 =	simm.s32 $0x20;
	v1 =	vld [tilespmem:s21+$0x0]  }
.LBB2_4:
0x6b: {  	p0 =	sne.s32 s23, $0x70;
	_ =	sdelay $0x1  }
0x6c: {  	v2 =	vmov s22;
	s22 =	smov.u32 s23  }
0x6d: {  	v2 =	vshll.u32 v2, $0x7  }
0x6e: {  	v2 =	vor.u32 v0, v2;
	v1 =	vand.u32 $0x7F, v1  }
0x6f: {  	v1 =	vor.u32 v1, v2  }
0x70: {  	v1 =	vadd.s32 $0x4000, v1;
	_ =	sdelay $0x4  }
0x71: {  	v1 =	vld.idx.msk [tilespmem:v1+s10+$0x0], $0xffff;
	_ =	sdelay $0x2  }
.Ltmp1:
0x72: {  	(pc) =	sbr.rel @p0 .LBB2_4-.Ltmp1, $4  }
0x73: {  	_ = 	snop  }
0x74: {  	s20 =	sadd.s32 $0x10, s20  }
0x75: {  	s21 =	sadd.s32 $0x10, s21;
	[tilespmem:s20+$0x0] =	vst v1  }
0x76: {  	s23 =	sadd.s32 $0x10, s23;
	v1 =	vld [tilespmem:s21+$0x0]  }
0x77: {  	_ =	sdelay $0x1  }
0x78: {  	v2 =	vmov s22  }
0x79: {  	v2 =	vshll.u32 v2, $0x7  }
0x7a: {  	v2 =	vor.u32 v0, v2;
	v1 =	vand.u32 $0x7F, v1  }
0x7b: {  	v1 =	vor.u32 v1, v2  }
0x7c: {  	v1 =	vadd.s32 $0x4000, v1;
	_ =	sdelay $0x4  }
0x7d: {  	v1 =	vld.idx.msk [tilespmem:v1+s10+$0x0], $0xffff;
	_ =	sdelay $0x3  }
0x7e: {  	s20 =	sadd.s32 $0x10, s20  }
0x7f: {  	[tilespmem:s20+$0x0] =	vst v1  }
0x80: {  	_ =	swait.ge [sflag:s17], $0x4000  }
0x81: {  	[sflag:s17] =	ssyncset.done $0x0  }
0x82: {  	s30 =	simm.s32 $0x100;
	[sflag:s17] =	ssyncadd.s32 $0xFFFFC000  }
0x83: {  	v1 =	vld [tilespmem:s30+$0x0];
	_ =	sdelay $0x1  }
0x84: {  	s31 =	simm.s32 $0x0  }
0x85: {  	v2 =	vmov s31  }
0x86: {  	v2 =	vshll.u32 v2, $0x7  }
0x87: {  	v2 =	vor.u32 v0, v2;
	v1 =	vand.u32 $0x7F, v1  }
0x88: {  	v1 =	vor.u32 v1, v2  }
0x89: {  	v1 =	vadd.s32 $0x8000, v1;
	_ =	sdelay $0x4  }
0x8a: {  	v1 =	vld.idx.msk [tilespmem:v1+s10+$0x0], $0xffff;
	_ =	sdelay $0x3  }
0x8b: {  	s20 =	simm.s32 $0x10500  }
0x8c: {  	s21 =	simm.s32 $0x110;
	[tilespmem:s20+$0x0] =	vst v1  }
0x8d: {  	s22 =	simm.s32 $0x10;
	s23 =	simm.s32 $0x20;
	v1 =	vld [tilespmem:s21+$0x0]  }
.LBB2_6:
0x8e: {  	p0 =	sne.s32 s23, $0x70;
	_ =	sdelay $0x1  }
0x8f: {  	v2 =	vmov s22;
	s22 =	smov.u32 s23  }
0x90: {  	v2 =	vshll.u32 v2, $0x7  }
0x91: {  	v2 =	vor.u32 v0, v2;
	v1 =	vand.u32 $0x7F, v1  }
0x92: {  	v1 =	vor.u32 v1, v2  }
0x93: {  	v1 =	vadd.s32 $0x8000, v1;
	_ =	sdelay $0x4  }
0x94: {  	v1 =	vld.idx.msk [tilespmem:v1+s10+$0x0], $0xffff;
	_ =	sdelay $0x2  }
.Ltmp2:
0x95: {  	(pc) =	sbr.rel @p0 .LBB2_6-.Ltmp2, $4  }
0x96: {  	_ = 	snop  }
0x97: {  	s20 =	sadd.s32 $0x10, s20  }
0x98: {  	s21 =	sadd.s32 $0x10, s21;
	[tilespmem:s20+$0x0] =	vst v1  }
0x99: {  	s23 =	sadd.s32 $0x10, s23;
	v1 =	vld [tilespmem:s21+$0x0]  }
0x9a: {  	_ =	sdelay $0x1  }
0x9b: {  	v2 =	vmov s22  }
0x9c: {  	v2 =	vshll.u32 v2, $0x7  }
0x9d: {  	v2 =	vor.u32 v0, v2;
	v1 =	vand.u32 $0x7F, v1  }
0x9e: {  	v1 =	vor.u32 v1, v2  }
0x9f: {  	v1 =	vadd.s32 $0x8000, v1;
	_ =	sdelay $0x4  }
0xa0: {  	v1 =	vld.idx.msk [tilespmem:v1+s10+$0x0], $0xffff;
	_ =	sdelay $0x3  }
0xa1: {  	s20 =	sadd.s32 $0x10, s20  }
0xa2: {  	[tilespmem:s20+$0x0] =	vst v1  }
0xa3: {  	_ =	swait.ge [sflag:s17], $0x4000  }
0xa4: {  	[sflag:s17] =	ssyncset.done $0x0  }
0xa5: {  	s30 =	simm.s32 $0x180;
	[sflag:s17] =	ssyncadd.s32 $0xFFFFC000  }
0xa6: {  	v1 =	vld [tilespmem:s30+$0x0];
	_ =	sdelay $0x1  }
0xa7: {  	s31 =	simm.s32 $0x0  }
0xa8: {  	v2 =	vmov s31  }
0xa9: {  	v2 =	vshll.u32 v2, $0x7  }
0xaa: {  	v2 =	vor.u32 v0, v2;
	v1 =	vand.u32 $0x7F, v1  }
0xab: {  	v1 =	vor.u32 v1, v2  }
0xac: {  	v1 =	vadd.s32 $0xC000, v1;
	_ =	sdelay $0x4  }
0xad: {  	v1 =	vld.idx.msk [tilespmem:v1+s10+$0x0], $0xffff;
	_ =	sdelay $0x3  }
0xae: {  	s20 =	simm.s32 $0x10580  }
0xaf: {  	s21 =	simm.s32 $0x190;
	[tilespmem:s20+$0x0] =	vst v1  }
0xb0: {  	s22 =	simm.s32 $0x10;
	s23 =	simm.s32 $0x20;
	v1 =	vld [tilespmem:s21+$0x0]  }
.LBB2_8:
0xb1: {  	p0 =	sne.s32 s23, $0x70;
	_ =	sdelay $0x1  }
0xb2: {  	v2 =	vmov s22;
	s22 =	smov.u32 s23  }
0xb3: {  	v2 =	vshll.u32 v2, $0x7  }
0xb4: {  	v2 =	vor.u32 v0, v2;
	v1 =	vand.u32 $0x7F, v1  }
0xb5: {  	v1 =	vor.u32 v1, v2  }
0xb6: {  	v1 =	vadd.s32 $0xC000, v1;
	_ =	sdelay $0x4  }
0xb7: {  	v1 =	vld.idx.msk [tilespmem:v1+s10+$0x0], $0xffff;
	_ =	sdelay $0x2  }
.Ltmp3:
0xb8: {  	(pc) =	sbr.rel @p0 .LBB2_8-.Ltmp3, $4  }
0xb9: {  	_ = 	snop  }
0xba: {  	s20 =	sadd.s32 $0x10, s20  }
0xbb: {  	s21 =	sadd.s32 $0x10, s21;
	[tilespmem:s20+$0x0] =	vst v1  }
0xbc: {  	s23 =	sadd.s32 $0x10, s23;
	v1 =	vld [tilespmem:s21+$0x0]  }
0xbd: {  	_ =	sdelay $0x1  }
0xbe: {  	v2 =	vmov s22  }
0xbf: {  	v2 =	vshll.u32 v2, $0x7  }
0xc0: {  	v2 =	vor.u32 v0, v2;
	v1 =	vand.u32 $0x7F, v1  }
0xc1: {  	v1 =	vor.u32 v1, v2  }
0xc2: {  	v1 =	vadd.s32 $0xC000, v1;
	_ =	sdelay $0x4  }
0xc3: {  	v1 =	vld.idx.msk [tilespmem:v1+s10+$0x0], $0xffff;
	_ =	sdelay $0x2  }
0xc4: {  	s19 =	sadd.s32 $0x1, s19  }
0xc5: {  	s20 =	sadd.s32 $0x10, s20;
	p0 =	sne.s32 s19, s6  }
.Ltmp4:
0xc6: {  	[tilespmem:s20+$0x0] =	vst v1;
	(pc) =	sbr.rel @p0 .LBB2_1-.Ltmp4, $4  }
0xc7: {  	[hbm4b:s5+s2] =	stream.linear.scatter [tilespmem:s18], [sflag:$0x2], $0x200, $0x38;
	[tilespmem:$0x10600] =	vst v63  }
0xc8: {  	_ =	swait.ge [sflag:s7], $0x200  }
0xc9: {  	[sflag:s7] =	ssyncset.done $0x0  }
0xca: {  	[sflag:s7] =	ssyncadd.s32 $0xFFFFFE00  }
0xcb: {  	_ =	sfence.sel $0x180000  }
0xcc: {  	[bflag:$0x0] =	sbarrier.arrive $0xFFFF  }
0xcd: {  	p0 =	sne.s32 s1, $0x0;
	_ =	strace $0x90000047  }
0xce: {  	s0 =	sadd.s32 @!p0 $0x100000, s0;
	[bflag:$0x2] =	sbarrier.arrive $0xFFFF  }
0xcf: {  	[sflag:s0] =	ssyncadd.tile.s32 @!p0 $0x1;
	_ =	shalt  }
.Lfunc_end2:
_tile_overlayer_lowered:
.L_overlay_start_2:
0xd0: {  	(tag) =	ssettag $0x2  }
0xd1: {  	s0 =	rddreg [dreg:$0x0];
	s2 =	stileid.u32  }
0xd2: {  	s1 =	rddreg [dreg:$0x1];
	p0 =	sne.s32 s2, $0x0  }
0xd3: {  	s3 =	rddreg [dreg:$0x2];
	[bflag:$0x3] =	sbarrier.arrive $0xFFFF;
	s2 =	simm.s32 @!p0 $0x1C02  }
0xd4: {  	[timem:s3], [sflag:s2] =	dma.local @!p0 [hbm:s0], s1  }
0xd5: {  	s0 =	simm.s32 @!p0 $0x2  }
0xd6: {  	_ =	swait.ge @!p0 [sflag:s0], s1  }
0xd7: {  	s1 =	ssub.s32 @!p0 $0x0, s1;
	[sflag:s0] =	ssyncset.done @!p0 $0x0  }
0xd8: {  	[sflag:s0] =	ssyncadd.s32 @!p0 s1  }
0xd9: {  	[bflag:$0x3] =	sbarrier.arrive $0xFFFF  }
0xda: {  	_ =	shalt  }

</sc_bundles>
